<compile_context>
chip_gen: v7x
topology: tpu7x:2x2x1
jax: 0.10.2.dev20260603
libtpu: 0.0.44.dev20260713+nightly
codegen_flags: <defaults>
</compile_context>

<pallas_src>
import functools

import jax
import jax.numpy as jnp
from jax import lax
from jax.experimental import pallas as pl
from jax.experimental.pallas import tpu as pltpu
from jax.experimental.pallas import tpu_sc as plsc

VOCAB = 1000000
EMBED = 64
HIDDEN = 256
OUT = 10
SEQ = 200
BATCH = 4096

NUM_CORES = 2
NUM_SUBCORES = 16
NW = NUM_CORES * NUM_SUBCORES
B_PER_W = BATCH // NW
LANES = 16
EMB_VECS = EMBED // LANES

TRB = 8192
N_TR_BLOCKS = 62
SPLIT = N_TR_BLOCKS * TRB
TAB_ROWS = N_TR_BLOCKS * TRB
VIEW_ROWS = 2 * TAB_ROWS
_IN_BLOCKS = (VOCAB + TRB - 1) // TRB


def _tr_body(a_ref, b_ref, out_ref):
    ya = jnp.transpose(a_ref[...], (1, 0))
    yb = jnp.transpose(b_ref[...], (1, 0))
    out_ref[...] = jnp.concatenate([ya, yb], axis=1)


def _transpose_kernel(embt):
    return pl.pallas_call(
        _tr_body,
        grid=(N_TR_BLOCKS,),
        in_specs=[
            pl.BlockSpec((EMBED, TRB), lambda i: (0, i)),
            pl.BlockSpec(
                (EMBED, TRB),
                lambda i: (0, jnp.minimum(i + N_TR_BLOCKS, _IN_BLOCKS - 1))),
        ],
        out_specs=pl.BlockSpec((TRB, 2 * EMBED), lambda i: (i, 0)),
        out_shape=jax.ShapeDtypeStruct((TAB_ROWS, 2 * EMBED), jnp.float32),
    )(embt, embt)


def _pool_kernel_body(text_hbm, tab_hbm, out_hbm, idx_v, acc_v, sem):
    wid = lax.axis_index("s") * NUM_CORES + lax.axis_index("c")
    base = wid * B_PER_W

    pltpu.sync_copy(text_hbm.at[:, wid], idx_v)

    zero = jnp.zeros((LANES,), jnp.float32)

    @pl.loop(0, B_PER_W)
    def _(i):
        for c in range(EMB_VECS):
            acc_v[i, pl.ds(c * LANES, LANES)] = zero

    @pl.loop(0, SEQ)
    def _(s):
        pltpu.async_copy(tab_hbm.at[idx_v.at[s]], acc_v, sem, add=True)

    @pl.loop(0, SEQ)
    def _(s):
        pltpu.make_async_copy(tab_hbm.at[idx_v.at[s]], acc_v, sem).wait()

    pltpu.sync_copy(acc_v, out_hbm.at[pl.ds(base, B_PER_W)])


@functools.partial(
    pl.kernel,
    out_type=jax.ShapeDtypeStruct((BATCH, EMBED), jnp.float32),
    mesh=plsc.VectorSubcoreMesh(core_axis_name="c", subcore_axis_name="s"),
    compiler_params=pltpu.CompilerParams(use_tc_tiling_on_sc=False),
    scratch_types=[
        pltpu.VMEM((SEQ, B_PER_W), jnp.int32),
        pltpu.VMEM((B_PER_W, EMBED), jnp.float32),
        pltpu.SemaphoreType.DMA,
    ],
)
def _pool_kernel(text_hbm, tab_hbm, out_hbm, idx_v, acc_v, sem):
    _pool_kernel_body(text_hbm, tab_hbm, out_hbm, idx_v, acc_v, sem)


def _mlp_body(pooled_ref, w1_ref, b1_ref, w2_ref, b2_ref, out_ref):
    pooled = pooled_ref[...] * jnp.float32(1.0 / SEQ)
    hidden = (
        jnp.dot(pooled, w1_ref[...], preferred_element_type=jnp.float32)
        + b1_ref[...])
    out_ref[...] = (
        jnp.dot(hidden, w2_ref[...], preferred_element_type=jnp.float32)
        + b2_ref[...])


def _mlp(pooled, W1, b1, W2, b2):
    return pl.pallas_call(
        _mlp_body,
        out_shape=jax.ShapeDtypeStruct((BATCH, OUT), jnp.float32),
    )(pooled, W1, b1.reshape(1, HIDDEN), W2, b2.reshape(1, OUT))


@jax.jit
def kernel(text, emb, W1, b1, W2, b2):
    if text.dtype != jnp.int32:
        text = text.astype(jnp.int32)
    r = jnp.where(text < SPLIT, 2 * text, 2 * text - (2 * SPLIT - 1))
    t3 = r.reshape(SEQ, NW, B_PER_W)
    tab = _transpose_kernel(emb.T).reshape(VIEW_ROWS, EMBED)
    pooled = _pool_kernel(t3, tab)
    return _mlp(pooled, W1, b1, W2, b2)

# --- scband reference (transcript-rebuilt; emitter-appended) ---
"""Pipeline reference for scband-simple-text-classifier-53841710023178 (READ-ONLY COPY).

The authoritative reference and input builder live on the scoring server;
editing this copy changes nothing except your own understanding.
"""

import jax, jax.numpy as jnp
import numpy as np

VOCAB = 1000000
EMBED = 64
HIDDEN = 256
OUT = 10
SEQ = 200
BATCH = 4096


def setup_inputs(seed: int = 0) -> dict:
    key = jax.random.key(seed)
    k_text, k_emb, k_w1, k_b1, k_w2, k_b2 = jax.random.split(key, 6)
    text = jax.random.randint(k_text, (SEQ, BATCH), 0, VOCAB, dtype=jnp.int64 if jax.config.jax_enable_x64 else jnp.int32)
    emb = jax.random.normal(k_emb, (VOCAB, EMBED), dtype=jnp.float32)
    W1 = jax.random.normal(k_w1, (EMBED, HIDDEN), dtype=jnp.float32) * (1.0 / np.sqrt(EMBED))
    b1 = jax.random.normal(k_b1, (HIDDEN,), dtype=jnp.float32) * 0.01
    W2 = jax.random.normal(k_w2, (HIDDEN, OUT), dtype=jnp.float32) * (1.0 / np.sqrt(HIDDEN))
    b2 = jax.random.normal(k_b2, (OUT,), dtype=jnp.float32) * 0.01
    return {"text": text, "emb": emb, "W1": W1, "b1": b1, "W2": W2, "b2": b2}


def reference(text, emb, W1, b1, W2, b2):
    # embedding lookup: gather rows of the table
    embedded = jnp.take(emb, text, axis=0)          # [SEQ, BATCH, EMBED]
    pooled = jnp.mean(embedded, axis=0)             # [BATCH, EMBED]
    hidden = pooled @ W1 + b1                       # [BATCH, HIDDEN]
    # dropout is identity in eval / deterministic reference
    output = hidden @ W2 + b2                       # [BATCH, OUT]
    return output

if __name__ == "__main__":
    import jax
    _d = setup_inputs()
    print(jax.jit(kernel)(*tuple(_d.values())))

</pallas_src>

<mosaic_0001>
#map = affine_map<(d0, d1) -> (0, 0, 0)>
#map1 = affine_map<(d0, d1) -> (0, 0)>
module attributes {stable_mosaic.version = 14 : i64} {
  func.func @_pool_kernel(%arg0: i32, %arg1: i32, %arg2: memref<200x32x128xi32, #tpu.memory_space<hbm>>, %arg3: memref<1015808x64xf32, #tpu.memory_space<hbm>>, %arg4: memref<4096x64xf32, #tpu.memory_space<hbm>>, %arg5: memref<200x128xi32, #tpu.memory_space<vmem>>, %arg6: memref<128x64xf32, #tpu.memory_space<vmem>>, %arg7: memref<!tpu.dma_semaphore, #tpu.memory_space<semaphore_mem>>) attributes {dimension_semantics = [#tpu.dimension_semantics<core_parallel>, #tpu.dimension_semantics<subcore_parallel>], iteration_bounds = array<i64: 2, 16>, scalar_prefetch = 0 : i64, scratch_operands = 3 : i64, tpu.core_type = #tpu.core_type<sc_vector_subcore>, window_params = [{transform_indices = #map}, {transform_indices = #map1}, {transform_indices = #map1}]} {
    %mul3A = arith.constant 2 : i32
    %mul3A_0 = arith.muli %arg1, %mul3A : i32
    %add3A = arith.addi %mul3A_0, %arg0 : i32
    %mul3A_1 = arith.constant 128 : i32
    %mul3A_2 = arith.muli %add3A, %mul3A_1 : i32
    "tpu.region"() ({
      %run_scoped3A = tpu.sem_alloc : memref<!tpu.dma_semaphore, #tpu.memory_space<semaphore_mem>>
      %dma_start3A = arith.constant 0 : i32
      %dma_start3A_18 = arith.constant 0 : i32
      %dma_start3A_19 = tpu.memref_slice %arg2[%dma_start3A, %add3A, %dma_start3A_18] : memref<200x32x128xi32, #tpu.memory_space<hbm>> -> memref<200x1x128xi32, #tpu.memory_space<hbm>>
      %dma_start3A_20 = tpu.memref_squeeze %dma_start3A_19 : memref<200x1x128xi32, #tpu.memory_space<hbm>> -> memref<200x128xi32, #tpu.memory_space<hbm>>
      %dma_start3A_21 = arith.constant 0 : i32
      %dma_start3A_22 = arith.constant 0 : i32
      %dma_start3A_23 = tpu.memref_slice %arg2[%dma_start3A_21, %add3A, %dma_start3A_22] : memref<200x32x128xi32, #tpu.memory_space<hbm>> -> memref<200x1x128xi32, #tpu.memory_space<hbm>>
      %dma_start3A_24 = tpu.memref_squeeze %dma_start3A_23 : memref<200x1x128xi32, #tpu.memory_space<hbm>> -> memref<200x128xi32, #tpu.memory_space<hbm>>
      tpu.enqueue_dma source(%dma_start3A_24 : memref<200x128xi32, #tpu.memory_space<hbm>>) target(%arg5 : memref<200x128xi32, #tpu.memory_space<vmem>>) target_semaphore(%run_scoped3A : memref<!tpu.dma_semaphore, #tpu.memory_space<semaphore_mem>>)
      %dma_wait3A = arith.constant 0 : i32
      %dma_wait3A_25 = arith.constant 0 : i32
      %dma_wait3A_26 = tpu.memref_slice %arg2[%dma_wait3A, %add3A, %dma_wait3A_25] : memref<200x32x128xi32, #tpu.memory_space<hbm>> -> memref<200x1x128xi32, #tpu.memory_space<hbm>>
      %dma_wait3A_27 = tpu.memref_squeeze %dma_wait3A_26 : memref<200x1x128xi32, #tpu.memory_space<hbm>> -> memref<200x128xi32, #tpu.memory_space<hbm>>
      %dma_wait3A_28 = arith.constant 0 : i32
      %dma_wait3A_29 = arith.constant 0 : i32
      %dma_wait3A_30 = tpu.memref_slice %arg2[%dma_wait3A_28, %add3A, %dma_wait3A_29] : memref<200x32x128xi32, #tpu.memory_space<hbm>> -> memref<200x1x128xi32, #tpu.memory_space<hbm>>
      %dma_wait3A_31 = tpu.memref_squeeze %dma_wait3A_30 : memref<200x1x128xi32, #tpu.memory_space<hbm>> -> memref<200x128xi32, #tpu.memory_space<hbm>>
      tpu.wait_dma2 semaphore(%run_scoped3A : memref<!tpu.dma_semaphore, #tpu.memory_space<semaphore_mem>>) src(%dma_wait3A_31 : memref<200x128xi32, #tpu.memory_space<hbm>>) dst(%arg5 : memref<200x128xi32, #tpu.memory_space<vmem>>)
      tpu.yield
    }) : () -> ()
    %broadcast_in_dim3A = arith.constant 0.000000e+00 : f32
    %broadcast_in_dim3A_3 = vector.broadcast %broadcast_in_dim3A : f32 to vector<16xf32>
    %scan3A = arith.constant 0 : i32
    %scan3A_4 = arith.constant 128 : i32
    %scan3A_5 = arith.addi %scan3A, %scan3A_4 : i32
    %scan3A_6 = arith.constant 1 : i32
    scf.for %scan3A_18 = %scan3A to %scan3A_5 step %scan3A_6  : i32 {
      %mul3A_19 = arith.constant 1 : i32
      %mul3A_20 = arith.muli %scan3A_18, %mul3A_19 : i32
      %add3A_21 = arith.constant 0 : i32
      %add3A_22 = arith.addi %add3A_21, %mul3A_20 : i32
      %swap3A = arith.index_cast %add3A_22 : i32 to index
      %swap3A_23 = arith.constant 0 : index
      %swap3A_24 = tpu.vector_load %arg6[%swap3A, %swap3A_23] {strides = array<i32>} : memref<128x64xf32, #tpu.memory_space<vmem>>, vector<1x16xf32>,
      %swap3A_25 = vector.shape_cast %swap3A_24 : vector<1x16xf32> to vector<16xf32>
      %swap3A_26 = vector.shape_cast %broadcast_in_dim3A_3 : vector<16xf32> to vector<1x16xf32>
      tpu.vector_store %arg6[%swap3A, %swap3A_23], %swap3A_26 {strides = array<i32>} : memref<128x64xf32, #tpu.memory_space<vmem>>, vector<1x16xf32>,
      %swap3A_27 = arith.index_cast %add3A_22 : i32 to index
      %swap3A_28 = arith.constant 16 : index
      %swap3A_29 = tpu.vector_load %arg6[%swap3A_27, %swap3A_28] {strides = array<i32>} : memref<128x64xf32, #tpu.memory_space<vmem>>, vector<1x16xf32>,
      %swap3A_30 = vector.shape_cast %swap3A_29 : vector<1x16xf32> to vector<16xf32>
      %swap3A_31 = vector.shape_cast %broadcast_in_dim3A_3 : vector<16xf32> to vector<1x16xf32>
      tpu.vector_store %arg6[%swap3A_27, %swap3A_28], %swap3A_31 {strides = array<i32>} : memref<128x64xf32, #tpu.memory_space<vmem>>, vector<1x16xf32>,
      %swap3A_32 = arith.index_cast %add3A_22 : i32 to index
      %swap3A_33 = arith.constant 32 : index
      %swap3A_34 = tpu.vector_load %arg6[%swap3A_32, %swap3A_33] {strides = array<i32>} : memref<128x64xf32, #tpu.memory_space<vmem>>, vector<1x16xf32>,
      %swap3A_35 = vector.shape_cast %swap3A_34 : vector<1x16xf32> to vector<16xf32>
      %swap3A_36 = vector.shape_cast %broadcast_in_dim3A_3 : vector<16xf32> to vector<1x16xf32>
      tpu.vector_store %arg6[%swap3A_32, %swap3A_33], %swap3A_36 {strides = array<i32>} : memref<128x64xf32, #tpu.memory_space<vmem>>, vector<1x16xf32>,
      %swap3A_37 = arith.index_cast %add3A_22 : i32 to index
      %swap3A_38 = arith.constant 48 : index
      %swap3A_39 = tpu.vector_load %arg6[%swap3A_37, %swap3A_38] {strides = array<i32>} : memref<128x64xf32, #tpu.memory_space<vmem>>, vector<1x16xf32>,
      %swap3A_40 = vector.shape_cast %swap3A_39 : vector<1x16xf32> to vector<16xf32>
      %swap3A_41 = vector.shape_cast %broadcast_in_dim3A_3 : vector<16xf32> to vector<1x16xf32>
      tpu.vector_store %arg6[%swap3A_37, %swap3A_38], %swap3A_41 {strides = array<i32>} : memref<128x64xf32, #tpu.memory_space<vmem>>, vector<1x16xf32>,
    }
    %scan3A_7 = arith.constant 128 : i32
    %scan3A_8 = arith.constant 0 : i32
    %scan3A_9 = arith.constant 200 : i32
    %scan3A_10 = arith.addi %scan3A_8, %scan3A_9 : i32
    %scan3A_11 = arith.constant 1 : i32
    scf.for %scan3A_18 = %scan3A_8 to %scan3A_10 step %scan3A_11  : i32 {
      %mul3A_19 = arith.constant 1 : i32
      %mul3A_20 = arith.muli %scan3A_18, %mul3A_19 : i32
      %add3A_21 = arith.constant 0 : i32
      %add3A_22 = arith.addi %add3A_21, %mul3A_20 : i32
      %dma_start3A = arith.constant 0 : i32
      %dma_start3A_23 = tpu.memref_slice %arg5[%add3A_22, %dma_start3A] : memref<200x128xi32, #tpu.memory_space<vmem>> -> memref<1x128xi32, #tpu.memory_space<vmem>>
      %dma_start3A_24 = tpu.memref_squeeze %dma_start3A_23 : memref<1x128xi32, #tpu.memory_space<vmem>> -> memref<128xi32, #tpu.memory_space<vmem>>
      %dma_start3A_25 = arith.constant 0 : i32
      %dma_start3A_26 = arith.constant 0 : i32
      %dma_start3A_27 = tpu.memref_slice %arg3[%dma_start3A_25, %dma_start3A_26] : memref<1015808x64xf32, #tpu.memory_space<hbm>> -> memref<1015808x64xf32, #tpu.memory_space<hbm>>
      tpu.enqueue_indirect_dma source(%dma_start3A_27 : memref<1015808x64xf32, #tpu.memory_space<hbm>>) target(%arg6 : memref<128x64xf32, #tpu.memory_space<vmem>>) offsets(%dma_start3A_24 : memref<128xi32, #tpu.memory_space<vmem>>) semaphore(%arg7 : memref<!tpu.dma_semaphore, #tpu.memory_space<semaphore_mem>>) {add = true}
    }
    %scan3A_12 = arith.constant 200 : i32
    %scan3A_13 = arith.constant 0 : i32
    %scan3A_14 = arith.constant 200 : i32
    %scan3A_15 = arith.addi %scan3A_13, %scan3A_14 : i32
    %scan3A_16 = arith.constant 1 : i32
    scf.for %scan3A_18 = %scan3A_13 to %scan3A_15 step %scan3A_16  : i32 {
      %mul3A_19 = arith.constant 1 : i32
      %mul3A_20 = arith.muli %scan3A_18, %mul3A_19 : i32
      %add3A_21 = arith.constant 0 : i32
      %add3A_22 = arith.addi %add3A_21, %mul3A_20 : i32
      %dma_wait3A = arith.constant 0 : i32
      %dma_wait3A_23 = tpu.memref_slice %arg5[%add3A_22, %dma_wait3A] : memref<200x128xi32, #tpu.memory_space<vmem>> -> memref<1x128xi32, #tpu.memory_space<vmem>>
      %dma_wait3A_24 = tpu.memref_squeeze %dma_wait3A_23 : memref<1x128xi32, #tpu.memory_space<vmem>> -> memref<128xi32, #tpu.memory_space<vmem>>
      %dma_wait3A_25 = arith.constant 0 : i32
      %dma_wait3A_26 = arith.constant 0 : i32
      %dma_wait3A_27 = tpu.memref_slice %arg3[%dma_wait3A_25, %dma_wait3A_26] : memref<1015808x64xf32, #tpu.memory_space<hbm>> -> memref<1015808x64xf32, #tpu.memory_space<hbm>>
      tpu.wait_indirect_dma semaphore(%arg7 : memref<!tpu.dma_semaphore, #tpu.memory_space<semaphore_mem>>) src(%dma_wait3A_27 : memref<1015808x64xf32, #tpu.memory_space<hbm>>) dst(%arg6 : memref<128x64xf32, #tpu.memory_space<vmem>>)
    }
    %scan3A_17 = arith.constant 200 : i32
    "tpu.region"() ({
      %run_scoped3A = tpu.sem_alloc : memref<!tpu.dma_semaphore, #tpu.memory_space<semaphore_mem>>
      %dma_start3A = arith.constant 0 : i32
      %dma_start3A_18 = tpu.memref_slice %arg4[%mul3A_2, %dma_start3A] : memref<4096x64xf32, #tpu.memory_space<hbm>> -> memref<128x64xf32, #tpu.memory_space<hbm>>
      %dma_start3A_19 = arith.constant 0 : i32
      %dma_start3A_20 = tpu.memref_slice %arg4[%mul3A_2, %dma_start3A_19] : memref<4096x64xf32, #tpu.memory_space<hbm>> -> memref<128x64xf32, #tpu.memory_space<hbm>>
      tpu.enqueue_dma source(%arg6 : memref<128x64xf32, #tpu.memory_space<vmem>>) target(%dma_start3A_20 : memref<128x64xf32, #tpu.memory_space<hbm>>) target_semaphore(%run_scoped3A : memref<!tpu.dma_semaphore, #tpu.memory_space<semaphore_mem>>)
      %dma_wait3A = arith.constant 0 : i32
      %dma_wait3A_21 = tpu.memref_slice %arg4[%mul3A_2, %dma_wait3A] : memref<4096x64xf32, #tpu.memory_space<hbm>> -> memref<128x64xf32, #tpu.memory_space<hbm>>
      %dma_wait3A_22 = arith.constant 0 : i32
      %dma_wait3A_23 = tpu.memref_slice %arg4[%mul3A_2, %dma_wait3A_22] : memref<4096x64xf32, #tpu.memory_space<hbm>> -> memref<128x64xf32, #tpu.memory_space<hbm>>
      tpu.wait_dma2 semaphore(%run_scoped3A : memref<!tpu.dma_semaphore, #tpu.memory_space<semaphore_mem>>) src(%arg6 : memref<128x64xf32, #tpu.memory_space<vmem>>) dst(%dma_wait3A_23 : memref<128x64xf32, #tpu.memory_space<hbm>>)
      tpu.yield
    }) : () -> ()
    return
  }
}

module attributes {stable_mosaic.version = 14 : i64} {
  func.func @_tr_body(%arg0: i32, %arg1: memref<64x8192xf32, #tpu.memory_space<vmem>>, %arg2: memref<64x8192xf32, #tpu.memory_space<vmem>>, %arg3: memref<8192x128xf32, #tpu.memory_space<vmem>>) attributes {dimension_semantics = [#tpu.dimension_semantics<arbitrary>], iteration_bounds = array<i64: 62>, scalar_prefetch = 0 : i64, scratch_operands = 0 : i64, tpu.core_type = #tpu.core_type<tc>, window_params = [{transform_indices = @transform_0, window_bounds = array<i64: 64, 8192>}, {transform_indices = @transform_1, window_bounds = array<i64: 64, 8192>}, {transform_indices = @transform_2, window_bounds = array<i64: 8192, 128>}]} {
    %get3A = arith.constant 0 : index
    %get3A_0 = arith.constant 0 : index
    %get3A_1 = vector.load %arg1[%get3A, %get3A_0] : memref<64x8192xf32, #tpu.memory_space<vmem>>, vector<64x8192xf32>
    %transpose3A = tpu.transpose %get3A_1, [1, 0] : vector<64x8192xf32> -> vector<8192x64xf32>
    %get3A_2 = arith.constant 0 : index
    %get3A_3 = arith.constant 0 : index
    %get3A_4 = vector.load %arg2[%get3A_2, %get3A_3] : memref<64x8192xf32, #tpu.memory_space<vmem>>, vector<64x8192xf32>
    %transpose3A_5 = tpu.transpose %get3A_4, [1, 0] : vector<64x8192xf32> -> vector<8192x64xf32>
    %concatenate3A = tpu.concatenate %transpose3A, %transpose3A_5 in 1 : vector<8192x64xf32>, vector<8192x64xf32> -> vector<8192x128xf32>
    %swap3A = arith.constant 0 : index
    %swap3A_6 = arith.constant 0 : index
    %swap3A_7 = vector.load %arg3[%swap3A, %swap3A_6] : memref<8192x128xf32, #tpu.memory_space<vmem>>, vector<8192x128xf32>
    tpu.vector_store %arg3[%swap3A, %swap3A_6], %concatenate3A {strides = array<i32>} : memref<8192x128xf32, #tpu.memory_space<vmem>>, vector<8192x128xf32>,
    return
  }
  func.func @transform_0(%arg0: i32) -> (i32, i32) {
    %c0_i32 = arith.constant 0 : i32
    %c0_i32_0 = arith.constant 0 : i32
    return %c0_i32, %arg0 : i32, i32
  }
  func.func @transform_1(%arg0: i32) -> (i32, i32) {
    %add3A = arith.constant 62 : i32
    %add3A_0 = arith.addi %arg0, %add3A : i32
    %min3A = arith.constant 122 : i32
    %min3A_1 = arith.minsi %add3A_0, %min3A : i32
    %c0_i32 = arith.constant 0 : i32
    %c0_i32_2 = arith.constant 0 : i32
    return %c0_i32, %min3A_1 : i32, i32
  }
  func.func @transform_2(%arg0: i32) -> (i32, i32) {
    %c0_i32 = arith.constant 0 : i32
    %c0_i32_0 = arith.constant 0 : i32
    return %arg0, %c0_i32 : i32, i32
  }
}

module attributes {stable_mosaic.version = 14 : i64} {
  func.func @_mlp_body(%arg0: memref<4096x64xf32, #tpu.memory_space<vmem>>, %arg1: memref<64x256xf32, #tpu.memory_space<vmem>>, %arg2: memref<1x256xf32, #tpu.memory_space<vmem>>, %arg3: memref<256x10xf32, #tpu.memory_space<vmem>>, %arg4: memref<1x10xf32, #tpu.memory_space<vmem>>, %arg5: memref<4096x10xf32, #tpu.memory_space<vmem>>) attributes {dimension_semantics = [], scalar_prefetch = 0 : i64, scratch_operands = 0 : i64, tpu.core_type = #tpu.core_type<tc>} {
    %get3A = arith.constant 0 : index
    %get3A_0 = arith.constant 0 : index
    %get3A_1 = vector.load %arg0[%get3A, %get3A_0] : memref<4096x64xf32, #tpu.memory_space<vmem>>, vector<4096x64xf32>
    %mul3A = arith.constant 5.000000e-03 : f32
    %mul3A_2 = vector.broadcast %mul3A : f32 to vector<4096x64xf32>
    %mul3A_3 = arith.mulf %get3A_1, %mul3A_2 : vector<4096x64xf32>
    %get3A_4 = arith.constant 0 : index
    %get3A_5 = arith.constant 0 : index
    %get3A_6 = vector.load %arg1[%get3A_4, %get3A_5] : memref<64x256xf32, #tpu.memory_space<vmem>>, vector<64x256xf32>
    %dot_general3A = arith.constant dense<0.000000e+00> : vector<4096x256xf32>
    %dot_general3A_7 = tpu.matmul %mul3A_3, %get3A_6, %dot_general3A {dimension_numbers = #tpu.dot_dimension_numbers<[1], [0], [0], [1], [0, 0, 1, 1], [], []>, transpose_lhs_hint = false} : vector<4096x64xf32>, vector<64x256xf32>, vector<4096x256xf32> -> vector<4096x256xf32>
    %get3A_8 = arith.constant 0 : index
    %get3A_9 = arith.constant 0 : index
    %get3A_10 = vector.load %arg2[%get3A_8, %get3A_9] : memref<1x256xf32, #tpu.memory_space<vmem>>, vector<1x256xf32>
    %add3A = vector.broadcast %get3A_10 : vector<1x256xf32> to vector<4096x256xf32>
    %add3A_11 = arith.addf %dot_general3A_7, %add3A : vector<4096x256xf32>
    %get3A_12 = arith.constant 0 : index
    %get3A_13 = arith.constant 0 : index
    %get3A_14 = vector.load %arg3[%get3A_12, %get3A_13] : memref<256x10xf32, #tpu.memory_space<vmem>>, vector<256x10xf32>
    %dot_general3A_15 = arith.constant dense<0.000000e+00> : vector<4096x10xf32>
    %dot_general3A_16 = tpu.matmul %add3A_11, %get3A_14, %dot_general3A_15 {dimension_numbers = #tpu.dot_dimension_numbers<[1], [0], [0], [1], [0, 0, 1, 1], [], []>, transpose_lhs_hint = false} : vector<4096x256xf32>, vector<256x10xf32>, vector<4096x10xf32> -> vector<4096x10xf32>
    %get3A_17 = arith.constant 0 : index
    %get3A_18 = arith.constant 0 : index
    %get3A_19 = vector.load %arg4[%get3A_17, %get3A_18] : memref<1x10xf32, #tpu.memory_space<vmem>>, vector<1x10xf32>
    %add3A_20 = vector.broadcast %get3A_19 : vector<1x10xf32> to vector<4096x10xf32>
    %add3A_21 = arith.addf %dot_general3A_16, %add3A_20 : vector<4096x10xf32>
    %swap3A = arith.constant 0 : index
    %swap3A_22 = arith.constant 0 : index
    %swap3A_23 = vector.load %arg5[%swap3A, %swap3A_22] : memref<4096x10xf32, #tpu.memory_space<vmem>>, vector<4096x10xf32>
    tpu.vector_store %arg5[%swap3A, %swap3A_22], %add3A_21 {strides = array<i32>} : memref<4096x10xf32, #tpu.memory_space<vmem>>, vector<4096x10xf32>,
    return
  }
}

</mosaic_0001>

<sc_bundles>
// kernel: kernel.5.cloned.1.call-start
scs
__scs_entry_jumppad:
0x0: {  	(pc) =	sbr.rel $0x88, $3  }
0x1: {  	(tag) =	ssettag $0x0;
	lr =	simm.s32 $0x1  }
0x2: {  	[smem:$0x3F9B] =	sst lr;
	_ =	strace $0xD0000000  }
0x3: {  	_ = 	snop  }
0x4: {  	_ = 	snop  }
0x5: {  	_ = 	snop  }
0x6: {  	_ = 	snop  }
0x7: {  	_ = 	snop  }
__scs_overlays_trampoline_lowered:
0x8: {  	[smem:$0x3FAA] =	sst s0  }
0x9: {  	[smem:$0x3FAB] =	sst s1  }
0xa: {  	[smem:$0x3FAC] =	sst s2  }
0xb: {  	[smem:$0x3FAD] =	sst s3  }
0xc: {  	[smem:$0x3FAE] =	sst s4  }
0xd: {  	[smem:$0x3FAF] =	sst s5  }
0xe: {  	[smem:$0x3FB0] =	sst s6  }
0xf: {  	[smem:$0x3FB1] =	sst s7  }
0x10: {  	[smem:$0x3FB2] =	sst s8  }
0x11: {  	[smem:$0x3FB3] =	sst s9;
	s0 =	simm.s32 @!p0 $0x0  }
0x12: {  	s1 =	sld [smem:$0x3F99];
	s0 =	simm.s32 @p0 $0x1  }
0x13: {  	[smem:$0x3FB4] =	sst s0;
	s0 =	simm.s32 @!p1 $0x0  }
0x14: {  	s2 =	sld [smem:$0x3F98];
	s0 =	simm.s32 @p1 $0x1  }
0x15: {  	[smem:$0x3FB5] =	sst s0;
	s0 =	simm.s32 @!p2 $0x0  }
0x16: {  	s3 =	sld [smem:$0x3FDB];
	s0 =	simm.s32 @p2 $0x1  }
0x17: {  	s4 =	simm.s32 $0x1BF5;
	[smem:$0x3FB7] =	sst s0  }
0x18: {  	s0 =	sld [smem:$0x3F9A];
	_ =	swait.ge [sflag:s4], $0x0  }
0x19: {  	s7 =	sld [smem:$0x3F9B]  }
0x1a: {  	s8 =	sadd.s32 $0xFFFFE003, lr  }
0x1b: {  	s9 =	sadd.s32 $0xFFFFFEF7, lr;
	s5 =	simm.s32 $0xFFFFFFFF;
	p2 =	slt.u32 s8, $0xFFFFF086  }
0x1c: {  	p1 =	slt.u32 s9, $0xF7A;
	s5 =	simm.s32 @!p2 $0x0  }
0x1d: {  	s5 =	simm.s32 @p1 $0x1;
	p0 =	seq.s32 s7, s2  }
0x1e: {  	s7 =	smul.u32 @!p0 $0xF7A, s2;
	p2 =	seq.s32 @!p0 s5, $0x0  }
0x1f: {  	s9 =	smul.u32 $0xF7A, s1;
	s8 =	simm.s32 @!p0 $0x1BF5;
	p2 =	por !p2, p0  }
0x20: {  	[sflag:s8] =	ssyncset.s32 @!p0 $0xFFFFF086;
	s6 =	sadd.s32 @!p0 s3, s7;
	s7 =	simm.s32 @!p0 $0x108  }
0x21: {  	s3 =	sadd.s32 s3, s9;
	s6 =	sadd.s32 @!p0 $0x88, s6;
	s7 =	simm.s32 @p2 $0x1082  }
0x22: {  	[simem:s7], [sflag:s8] =	dma.local @!p0 [hbm:s6], $0xF7A  }
0x23: {  	s9 =	sor.u32 $0xD0000000, s2;
	s6 =	simm.s32 $0x108;
	_ =	swait.ge @!p0 [sflag:s8], $0x0  }
0x24: {  	s3 =	sadd.s32 $0x88, s3;
	s6 =	simm.s32 @!p1 $0x1082;
	[sflag:s4] =	ssyncset.s32 $0xFFFFF086  }
0x25: {  	[simem:s6], [sflag:s4] =	dma.local [hbm:s3], $0xF7A  }
0x26: {  	[smem:$0x3F9B] =	sst s1;
	(tag) =	ssettag s2;
	_ =	strace s9  }
0x27: {  	s1 =	sld [smem:$0x3FAB]  }
0x28: {  	s2 =	sld [smem:$0x3FAC]  }
0x29: {  	s4 =	sld [smem:$0x3FAE]  }
0x2a: {  	p0 =	seq.s32 s5, $0x0;
	s5 =	sld [smem:$0x3FAF]  }
0x2b: {  	s6 =	sld [smem:$0x3FB0]  }
0x2c: {  	s7 =	sld [smem:$0x3FB1]  }
0x2d: {  	s3 =	simm.s32 $0x108;
	s8 =	sld [smem:$0x3FB2]  }
0x2e: {  	s3 =	simm.s32 @!p0 $0x1082;
	s9 =	sld [smem:$0x3FB3]  }
0x2f: {  	lr =	sadd.s32 s0, s3;
	s0 =	sld [smem:$0x3FAA]  }
0x30: {  	s3 =	sld [smem:$0x3FAD]  }
0x31: {  	[smem:$0x3FB6] =	sst s10  }
0x32: {  	s10 =	sld [smem:$0x3FB4];
	_ =	sdelay $0x3  }
0x33: {  	p0 =	seq.s32 s10, $0x1;
	s10 =	sld [smem:$0x3FB6];
	_ =	sdelay $0x3  }
0x34: {  	[smem:$0x3FB6] =	sst s10  }
0x35: {  	s10 =	sld [smem:$0x3FB5];
	_ =	sdelay $0x3  }
0x36: {  	p1 =	seq.s32 s10, $0x1;
	s10 =	sld [smem:$0x3FB6];
	_ =	sdelay $0x3  }
0x37: {  	[smem:$0x3FB6] =	sst s10  }
0x38: {  	s10 =	sld [smem:$0x3FB7]  }
0x39: {  	_ = 	snop;
	(pc) =	sbr.ind lr, $3  }
0x3a: {  	_ = 	snop  }
0x3b: {  	_ = 	snop  }
0x3c: {  	p2 =	seq.s32 s10, $0x1;
	s10 =	sld [smem:$0x3FB6]  }
0x3d: {  	_ =	shalt  }
0x3e: {  	_ =	shalt  }
0x3f: {  	_ =	shalt  }
0x40: {  	_ =	shalt  }
0x41: {  	_ =	shalt  }
0x42: {  	_ =	shalt  }
0x43: {  	_ =	shalt  }
0x44: {  	_ =	shalt  }
0x45: {  	_ =	shalt  }
0x46: {  	_ =	shalt  }
0x47: {  	_ =	shalt  }
0x48: {  	_ =	shalt  }
0x49: {  	_ =	shalt  }
0x4a: {  	_ =	shalt  }
0x4b: {  	_ =	shalt  }
0x4c: {  	_ =	shalt  }
0x4d: {  	_ =	shalt  }
0x4e: {  	_ =	shalt  }
0x4f: {  	_ =	shalt  }
0x50: {  	_ =	shalt  }
0x51: {  	_ =	shalt  }
0x52: {  	_ =	shalt  }
0x53: {  	_ =	shalt  }
0x54: {  	_ =	shalt  }
0x55: {  	_ =	shalt  }
0x56: {  	_ =	shalt  }
0x57: {  	_ =	shalt  }
0x58: {  	_ =	shalt  }
0x59: {  	_ =	shalt  }
0x5a: {  	_ =	shalt  }
0x5b: {  	_ =	shalt  }
0x5c: {  	_ =	shalt  }
0x5d: {  	_ =	shalt  }
0x5e: {  	_ =	shalt  }
0x5f: {  	_ =	shalt  }
0x60: {  	_ =	shalt  }
0x61: {  	_ =	shalt  }
0x62: {  	_ =	shalt  }
0x63: {  	_ =	shalt  }
0x64: {  	_ =	shalt  }
0x65: {  	_ =	shalt  }
0x66: {  	_ =	shalt  }
0x67: {  	_ =	shalt  }
0x68: {  	_ =	shalt  }
0x69: {  	_ =	shalt  }
0x6a: {  	_ =	shalt  }
0x6b: {  	_ =	shalt  }
0x6c: {  	_ =	shalt  }
0x6d: {  	_ =	shalt  }
0x6e: {  	_ =	shalt  }
0x6f: {  	_ =	shalt  }
0x70: {  	_ =	shalt  }
0x71: {  	_ =	shalt  }
0x72: {  	_ =	shalt  }
0x73: {  	_ =	shalt  }
0x74: {  	_ =	shalt  }
0x75: {  	_ =	shalt  }
0x76: {  	_ =	shalt  }
0x77: {  	_ =	shalt  }
0x78: {  	_ =	shalt  }
0x79: {  	_ =	shalt  }
0x7a: {  	_ =	shalt  }
0x7b: {  	_ =	shalt  }
0x7c: {  	_ =	shalt  }
0x7d: {  	_ =	shalt  }
0x7e: {  	_ =	shalt  }
0x7f: {  	_ =	shalt  }
0x80: {  	_ =	shalt  }
0x81: {  	_ =	shalt  }
0x82: {  	_ =	shalt  }
0x83: {  	_ =	shalt  }
0x84: {  	_ =	shalt  }
0x85: {  	_ =	shalt  }
0x86: {  	_ =	shalt  }
0x87: {  	_ =	shalt  }
.Lfunc_end0:
.L_simem_size_0:
called_computation_lowered:
.L_overlay_start_0:
0x88: {  	s2 =	sld [smem:$0x3FD9]  }
0x89: {  	s3 =	sld [smem:$0x3FFE];
	_ =	sdelay $0x1  }
0x8a: {  	s1 =	srdreg.scid  }
0x8b: {  	s0 =	sand.u32 $0x1, s1  }
0x8c: {  	s16 =	sshll.u32 s0, $0xA;
	s2 =	sadd.s32 s3, s2  }
0x8d: {  	s2 =	sadd.s32 s2, s16  }
0x8e: {  	[smem:$0x3FC2] =	sst s2  }
0x8f: {  	_ = 	snop  }
0x90: {  	(tm) =	ssettm $0x1  }
0x91: {  	s17 =	sld [smem:$0x3FFB];
	_ =	sdelay $0x3  }
0x92: {  	_ =	strace s17  }
0x93: {  	s2 =	sld [smem:$0x3FFC];
	_ =	sdelay $0x3  }
0x94: {  	_ =	strace s2  }
0x95: {  	s2 =	sld [smem:$0x3FFD];
	_ =	sdelay $0x3  }
0x96: {  	_ =	strace s2  }
0x97: {  	_ =	strace $0x8FFFFFFF  }
0x98: {  	s18 =	sld [smem:$0x3FDB];
	_ =	sdelay $0x1  }
0x99: {  	s19 =	simm.s32 $_scs_section_size  }
0x9a: {  	s4 =	simm.s32 $_size__tile_overlayer_lowered;
	s5 =	simm.s32 $_tile_overlayer_lowered  }
0x9b: {  	s22 =	simm.s32 $0x1BFF;
	s21 =	sshll.u32 s5, $0x1;
	s2 =	sadd.s32 s19, s18  }
0x9c: {  	s6 =	simm.s32 $0x0;
	s20 =	sshll.u32 s4, $0x1;
	s4 =	sadd.s32 s21, s2  }
0x9d: {  	[timem:s6], [sflag:s22] =	dma.local [hbm:s4], s20  }
0x9e: {  	_ =	swait.ge [sflag:s22], s20  }
0x9f: {  	s3 =	ssub.s32 $0x0, s20;
	[sflag:s22] =	ssyncset.done $0x0  }
0xa0: {  	[sflag:s22] =	ssyncadd.s32 s3;
	_ =	sdelay $0x1  }
0xa1: {  	s23 =	simm.s32 $0x1B8B  }
0xa2: {  	_ =	swait.ge [sflag:s23], $0x1  }
0xa3: {  	[sflag:s23] =	ssyncset.done $0x0  }
0xa4: {  	s25 =	simm.s32 $0x1B8E;
	s24 =	sld [smem:$0x3FFE];
	[sflag:s23] =	ssyncadd.s32 $0xFFFFFFFF  }
0xa5: {  	s26 =	simm.s32 $execute0_lowered;
	[smem:$0x3FD2] =	sst s25  }
0xa6: {  	s4 =	sshll.u32 s26, $0x1;
	_ =	strace $0x80000046;
	[dreg:$0x1] =	wrdreg $0xFFFFFFFF  }
0xa7: {  	s28 =	simm.s32 $_size_execute0_lowered;
	s2 =	sadd.s32 s2, s4;
	[dreg:$0x0] =	wrdreg $0x0  }
0xa8: {  	s4 =	sshll.u32 s28, $0x1;
	[dreg:$0x2] =	wrdreg s2  }
0xa9: {  	[dreg:$0x3] =	wrdreg s4  }
0xaa: {  	[dreg:$0x4] =	wrdreg $0xC0  }
0xab: {  	_ =	task [dreg:s6], $0x5FFFF  }
0xac: {  	[dreg:$0x1] =	wrdreg $0xFFFFFFFF  }
0xad: {  	[dreg:$0x0] =	wrdreg $0x60  }
0xae: {  	[dreg:$0x2] =	wrdreg s24  }
0xaf: {  	[dreg:$0x3] =	wrdreg $0x9  }
0xb0: {  	_ =	task.clear_ibuf [dreg:s6], $0x4FFFF;
	_ =	strace $0x90000046  }
0xb1: {  	s29 =	simm.s32 $0x9;
	_ =	strace $0x80000048  }
0xb2: {  	_ =	swait.ge [sflag:s29], $0x1  }
0xb3: {  	[sflag:s29] =	ssyncadd.s32 $0xFFFFFFFF  }
0xb4: {  	_ =	strace $0x90000048  }
0xb5: {  	_ =	sfence  }
0xb6: {  	s30 =	sld [smem:$0x0];
	_ =	sdelay $0x2  }
0xb7: {  	s31 =	sshll.u32 s1, $0xD;
	s1 =	sshrl.u32 s1, $0x2  }
0xb8: {  	s3 =	sand.u32 $0x4000, s31;
	s1 =	sadd.s32 s1, s30  }
0xb9: {  	s0 =	sor.u32 s3, s0;
	s1 =	sshll.u32 s1, $0x11  }
0xba: {  	s0 =	sor.u32 s1, s0  }
0xbb: {  	s0 =	sadd.s32 $0x8F2B, s0  }
0xbc: {  	[sflag:s0] =	ssyncadd.remote.s32 $0x1  }
0xbd: {  	_ =	sfence.sel $0xFFFF  }
0xbe: {  	[dreg:$0x0] =	wrdreg $0xFFFFFFFF;
	(pc) =	sbr.abs _section_cstart, $3  }
0xbf: {  	[dreg:$0x1] =	wrdreg $0xFFFFFFFF  }
0xc0: {  	_ =	task.clear_ibuf [dreg:s6], $0x2FFFF;
	_ =	strace $0x9FFFFFFF  }
0xc1: {  	(tm) =	ssettm $0x7FFFFFFF  }
tec
execute0_lowered:
.L_overlay_start_1:
0x0: {  	(tag) =	ssettag $0x1  }
0x1: {  	s4 =	rddreg [dreg:$0x0];
	s2 =	srdreg.scid  }
0x2: {  	s0 =	rddreg [dreg:$0x1];
	s1 =	stileid.u32  }
0x3: {  	s9 =	simm.s32 $0x2;
	s10 =	simm.s32 $0x6400;
	s11 =	simm.s32 $0x1  }
0x4: {  	s12 =	simm.s32 $0x0;
	s3 =	sand.u32 $0x1, s2;
	s2 =	simm.s32 $0x0  }
0x5: {  	s5 =	sshll.u32 s1, $0x8;
	s6 =	sshll.u32 s3, $0x7;
	[smem:$0x7FF] =	sst s2  }
0x6: {  	s7 =	ssub.s32 $0x2, s3;
	s3 =	sadd.s32 $0x19C00, s4;
	s5 =	sor.u32 s6, s5  }
0x7: {  	_ =	strace $0x80000047;
	s8 =	sshrl.u32 s7, $0x1;
	s6 =	sshrl.u32 s5, $0x3  }
0x8: {  	s5 =	sshll.u32 s5, $0x3;
	s7 =	ssub.s32 s7, s8;
	s6 =	sadd.s32 s6, s4  }
0x9: {  	s8 =	simm.s32 $0x1000;
	s5 =	sadd.s32 s5, s4;
	s4 =	sadd.s32 $0xC00, s6  }
0xa: {  	v0 =	vimm.f32 $0.0e+00;
	s5 =	sadd.s32 $0x7D9C00, s5;
	s6 =	smax.u32 s7, $0x1;
	s7 =	simm.s32 $0x80  }
.LBB2_1:
0xb: {  	[tilespmem:s2], [sflag:$0x2] =	stream.strided.gather [hbm4b:s4+s7], $0x6400, s8, s7, $0x38;
	[tilespmem:$0x8400] =	vst v63  }
0xc: {  	_ =	swait.ge [sflag:s9], $0x6400  }
0xd: {  	[sflag:s9] =	ssyncset.done $0x0  }
0xe: {  	s13 =	simm.s32 $0x0;
	[sflag:s9] =	ssyncadd.s32 $0xFFFF9C00  }
.LBB2_2:
0xf: {  	p0 =	sne.s32 s13, $0x7F00  }
.Ltmp0:
0x10: {  	s14 =	sshra.s32 s13, $0x2;
	(pc) =	sbr.rel @p0 .LBB2_2-.Ltmp0, $4  }
0x11: {  	[tilespmem:s14+$0x6400] =	vst v0  }
0x12: {  	[tilespmem:s14+$0x6410] =	vst v0  }
0x13: {  	[tilespmem:s14+$0x6420] =	vst v0  }
0x14: {  	s13 =	sadd.s32 $0x100, s13;
	[tilespmem:s14+$0x6430] =	vst v0  }
0x15: {  	s13 =	simm.s32 $0x0  }
.LBB2_4:
0x16: {  	p0 =	sne.s32 s13, $0x18E00  }
.Ltmp1:
0x17: {  	_ = 	snop;
	(pc) =	sbr.rel @p0 .LBB2_4-.Ltmp1, $3  }
0x18: {  	_ =	sdelay $0x1  }
0x19: {  	s14 =	sshra.s32 s13, $0x2;
	s13 =	sadd.s32 $0x200, s13  }
0x1a: {  	[tilespmem:s10], [sflag:$0x1] =	stream.indirect.gather.add.f32 [hbm:s3], $0x40, s14, s7, $0xb8;
	[tilespmem:$0x8400] =	vst v63  }
0x1b: {  	_ =	swait.ge [sflag:s11], $0x2000  }
0x1c: {  	s13 =	simm.s32 $0xC7;
	[sflag:s11] =	ssyncset.done $0x0  }
.LBB2_6:
0x1d: {  	p0 =	sne.s32 s13, $0x1;
	s13 =	sadd.s32 $0xFFFFFFFF, s13;
	[sflag:s11] =	ssyncadd.s32 $0xFFFFE000  }
.Ltmp2:
0x1e: {  	(pc) =	sbr.rel @p0 .LBB2_6-.Ltmp2, $3  }
0x1f: {  	_ =	sdelay $0x1  }
0x20: {  	_ =	swait.ge [sflag:s11], $0x2000  }
0x21: {  	[sflag:s11] =	ssyncset.done $0x0  }
0x22: {  	s12 =	sadd.s32 $0x1, s12  }
0x23: {  	p0 =	sne.s32 s12, s6  }
.Ltmp3:
0x24: {  	[sflag:s11] =	ssyncadd.s32 $0xFFFFE000;
	(pc) =	sbr.rel @p0 .LBB2_1-.Ltmp3, $4  }
0x25: {  	[hbm4b:s5+s2] =	stream.linear.scatter [tilespmem:s10], [sflag:$0x2], $0x2000, $0x38;
	[tilespmem:$0x8400] =	vst v63  }
0x26: {  	_ =	swait.ge [sflag:s9], $0x2000  }
0x27: {  	[sflag:s9] =	ssyncset.done $0x0  }
0x28: {  	[sflag:s9] =	ssyncadd.s32 $0xFFFFE000  }
0x29: {  	_ =	sfence.sel $0x180000  }
0x2a: {  	[bflag:$0x0] =	sbarrier.arrive $0xFFFF  }
0x2b: {  	p0 =	sne.s32 s1, $0x0;
	_ =	strace $0x90000047  }
0x2c: {  	s0 =	sadd.s32 @!p0 $0x100000, s0;
	[bflag:$0x2] =	sbarrier.arrive $0xFFFF  }
0x2d: {  	[sflag:s0] =	ssyncadd.tile.s32 @!p0 $0x1;
	_ =	shalt  }
.Lfunc_end2:
_tile_overlayer_lowered:
.L_overlay_start_2:
0x2e: {  	(tag) =	ssettag $0x2  }
0x2f: {  	s0 =	rddreg [dreg:$0x0];
	s2 =	stileid.u32  }
0x30: {  	s1 =	rddreg [dreg:$0x1];
	p0 =	sne.s32 s2, $0x0  }
0x31: {  	s3 =	rddreg [dreg:$0x2];
	[bflag:$0x3] =	sbarrier.arrive $0xFFFF;
	s2 =	simm.s32 @!p0 $0x1C02  }
0x32: {  	[timem:s3], [sflag:s2] =	dma.local @!p0 [hbm:s0], s1  }
0x33: {  	s0 =	simm.s32 @!p0 $0x2  }
0x34: {  	_ =	swait.ge @!p0 [sflag:s0], s1  }
0x35: {  	s1 =	ssub.s32 @!p0 $0x0, s1;
	[sflag:s0] =	ssyncset.done @!p0 $0x0  }
0x36: {  	[sflag:s0] =	ssyncadd.s32 @!p0 s1  }
0x37: {  	[bflag:$0x3] =	sbarrier.arrive $0xFFFF  }
0x38: {  	_ =	shalt  }

</sc_bundles>
